<compile_context>
chip_gen: v7x
topology: tpu7x:2x2x1
jax: 0.10.2.dev20260603
libtpu: 0.0.44.dev20260713+nightly
codegen_flags: <defaults>
</compile_context>

<pallas_src>
import jax
import jax.numpy as jnp
from jax import lax
from jax.experimental import pallas as pl
from jax.experimental.pallas import tpu as pltpu
from jax.experimental.pallas import tpu_sc as plsc

_NB = 64
_DM = 128
_B = 4096
_S = 200
_TOT = _B * _S
_NC = 2
_NS = 16
_NW = _NC * _NS
_PER_W = _TOT // _NW
_CHUNK = 128
_NCHUNK = _PER_W // _CHUNK
_NBUF = 5
_LAG = 2
_T = _NCHUNK // _NBUF
assert _NCHUNK % _NBUF == 0 and _LAG < _NBUF


def _emb_body(idx_hbm, table_hbm, out_hbm, idx_v, table_v, rows, sem_g, sem_s):
    c = lax.axis_index("c")
    s = lax.axis_index("s")
    wid = s * _NC + c
    base = wid * _PER_W
    pltpu.sync_copy(idx_hbm.at[pl.ds(base, _PER_W)], idx_v)

    @pl.when(s == 0)
    def _():
        pltpu.sync_copy(table_hbm, table_v)

    plsc.subcore_barrier()

    def gather(g, b):
        pltpu.async_copy(
            table_v.at[idx_v.at[pl.ds(g * _CHUNK, _CHUNK)]], rows[b], sem_g[b]
        )

    def store(g, b):
        pltpu.async_copy(
            rows[b], out_hbm.at[pl.ds(base + g * _CHUNK, _CHUNK)], sem_s[b]
        )

    def wait_gather(b):
        pltpu.make_async_copy(
            table_v.at[idx_v.at[pl.ds(0, _CHUNK)]], rows[b], sem_g[b]
        ).wait()

    def wait_store(b):
        pltpu.make_async_copy(
            rows[b], out_hbm.at[pl.ds(base, _CHUNK)], sem_s[b]
        ).wait()

    def outer(t, carry):
        g0 = t * _NBUF
        for b in range(_NBUF):
            g = g0 + b

            @pl.when(t > 0)
            def _():
                wait_store(b)

            gather(g, b)

            h = g - _LAG
            bh = (b - _LAG) % _NBUF

            @pl.when(h >= 0)
            def _():
                wait_gather(bh)
                store(h, bh)

        return carry

    lax.fori_loop(0, _T, outer, 0)

    for h in range(_NCHUNK - _LAG, _NCHUNK):
        bh = h % _NBUF
        wait_gather(bh)
        store(h, bh)
    for h in range(_NCHUNK - _NBUF, _NCHUNK):
        wait_store(h % _NBUF)


def kernel(band_idx, table):
    idx = band_idx.reshape(_TOT).astype(jnp.int32)
    mesh = plsc.VectorSubcoreMesh(core_axis_name="c", subcore_axis_name="s")
    out = pl.kernel(
        _emb_body,
        out_type=jax.ShapeDtypeStruct((_TOT, _DM), jnp.float32),
        mesh=mesh,
        scratch_types=[
            pltpu.VMEM((_PER_W,), jnp.int32),
            pltpu.VMEM_SHARED((_NB, _DM), jnp.float32),
            [pltpu.VMEM((_CHUNK, _DM), jnp.float32) for _ in range(_NBUF)],
            [pltpu.SemaphoreType.DMA for _ in range(_NBUF)],
            [pltpu.SemaphoreType.DMA for _ in range(_NBUF)],
        ],
    )(idx, table)
    return out.reshape(_B, _S, _DM)

# --- scband reference (transcript-rebuilt; emitter-appended) ---
"""Pipeline reference for scband-band-embedding-2765958938866 (READ-ONLY COPY).

The authoritative reference and input builder live on the scoring server;
editing this copy changes nothing except your own understanding.
"""

import jax, jax.numpy as jnp
import numpy as np

N_BANDS = 64
D_MODEL = 128
BATCH = 4096
SEQ_LEN = 200

def setup_inputs(seed: int = 0) -> dict:
    key = jax.random.key(seed)
    k_idx, k_tab = jax.random.split(key)
    band_idx = jax.random.randint(k_idx, (BATCH, SEQ_LEN), 0, N_BANDS, dtype=jnp.int64 if jax.config.jax_enable_x64 else jnp.int32)
    table = jax.random.normal(k_tab, (N_BANDS, D_MODEL), dtype=jnp.float32)
    return {"band_idx": band_idx, "table": table}

def reference(band_idx, table):
    # nn.Embedding lookup: (batch, seq_len) -> (batch, seq_len, d_model)
    return jnp.take(table, band_idx, axis=0)

if __name__ == "__main__":
    import jax
    _d = setup_inputs()
    print(jax.jit(kernel)(*tuple(_d.values())))

</pallas_src>

<mosaic_0001>
#map = affine_map<(d0, d1) -> (0)>
#map1 = affine_map<(d0, d1) -> (0, 0)>
module attributes {stable_mosaic.version = 14 : i64} {
  func.func @_emb_body(%arg0: i32, %arg1: i32, %arg2: memref<819200xi32, #tpu.memory_space<hbm>>, %arg3: memref<64x128xf32, #tpu.memory_space<hbm>>, %arg4: memref<819200x128xf32, #tpu.memory_space<hbm>>, %arg5: memref<25600xi32, #tpu.memory_space<vmem>>, %arg6: memref<64x128xf32, #tpu.memory_space<vmem_shared>>, %arg7: memref<128x128xf32, #tpu.memory_space<vmem>>, %arg8: memref<128x128xf32, #tpu.memory_space<vmem>>, %arg9: memref<128x128xf32, #tpu.memory_space<vmem>>, %arg10: memref<128x128xf32, #tpu.memory_space<vmem>>, %arg11: memref<128x128xf32, #tpu.memory_space<vmem>>, %arg12: memref<!tpu.dma_semaphore, #tpu.memory_space<semaphore_mem>>, %arg13: memref<!tpu.dma_semaphore, #tpu.memory_space<semaphore_mem>>, %arg14: memref<!tpu.dma_semaphore, #tpu.memory_space<semaphore_mem>>, %arg15: memref<!tpu.dma_semaphore, #tpu.memory_space<semaphore_mem>>, %arg16: memref<!tpu.dma_semaphore, #tpu.memory_space<semaphore_mem>>, %arg17: memref<!tpu.dma_semaphore, #tpu.memory_space<semaphore_mem>>, %arg18: memref<!tpu.dma_semaphore, #tpu.memory_space<semaphore_mem>>, %arg19: memref<!tpu.dma_semaphore, #tpu.memory_space<semaphore_mem>>, %arg20: memref<!tpu.dma_semaphore, #tpu.memory_space<semaphore_mem>>, %arg21: memref<!tpu.dma_semaphore, #tpu.memory_space<semaphore_mem>>) attributes {dimension_semantics = [#tpu.dimension_semantics<core_parallel>, #tpu.dimension_semantics<subcore_parallel>], iteration_bounds = array<i64: 2, 16>, scalar_prefetch = 0 : i64, scratch_operands = 17 : i64, tpu.core_type = #tpu.core_type<sc_vector_subcore>, window_params = [{transform_indices = #map}, {transform_indices = #map1}, {transform_indices = #map1}]} {
    %mul3A = arith.constant 2 : i32
    %mul3A_0 = arith.muli %arg1, %mul3A : i32
    %add3A = arith.addi %mul3A_0, %arg0 : i32
    %mul3A_1 = arith.constant 25600 : i32
    %mul3A_2 = arith.muli %add3A, %mul3A_1 : i32
    "tpu.region"() ({
      %run_scoped3A = tpu.sem_alloc : memref<!tpu.dma_semaphore, #tpu.memory_space<semaphore_mem>>
      %dma_start3A_50 = tpu.memref_slice %arg2[%mul3A_2] : memref<819200xi32, #tpu.memory_space<hbm>> -> memref<25600xi32, #tpu.memory_space<hbm>>
      %dma_start3A_51 = tpu.memref_slice %arg2[%mul3A_2] : memref<819200xi32, #tpu.memory_space<hbm>> -> memref<25600xi32, #tpu.memory_space<hbm>>
      tpu.enqueue_dma source(%dma_start3A_51 : memref<25600xi32, #tpu.memory_space<hbm>>) target(%arg5 : memref<25600xi32, #tpu.memory_space<vmem>>) target_semaphore(%run_scoped3A : memref<!tpu.dma_semaphore, #tpu.memory_space<semaphore_mem>>)
      %dma_wait3A_52 = tpu.memref_slice %arg2[%mul3A_2] : memref<819200xi32, #tpu.memory_space<hbm>> -> memref<25600xi32, #tpu.memory_space<hbm>>
      %dma_wait3A_53 = tpu.memref_slice %arg2[%mul3A_2] : memref<819200xi32, #tpu.memory_space<hbm>> -> memref<25600xi32, #tpu.memory_space<hbm>>
      tpu.wait_dma2 semaphore(%run_scoped3A : memref<!tpu.dma_semaphore, #tpu.memory_space<semaphore_mem>>) src(%dma_wait3A_53 : memref<25600xi32, #tpu.memory_space<hbm>>) dst(%arg5 : memref<25600xi32, #tpu.memory_space<vmem>>)
      tpu.yield
    }) : () -> ()
    %eq3A = arith.constant 0 : i32
    %eq3A_3 = arith.cmpi eq, %arg1, %eq3A : i32
    %convert_element_type3A = arith.extui %eq3A_3 : i1 to i32
    %cond3A = arith.constant 0 : i32
    %cond3A_4 = arith.cmpi ne, %convert_element_type3A, %cond3A : i32
    scf.if %cond3A_4 {
      "tpu.region"() ({
        %run_scoped3A = tpu.sem_alloc : memref<!tpu.dma_semaphore, #tpu.memory_space<semaphore_mem>>
        tpu.enqueue_dma source(%arg3 : memref<64x128xf32, #tpu.memory_space<hbm>>) target(%arg6 : memref<64x128xf32, #tpu.memory_space<vmem_shared>>) target_semaphore(%run_scoped3A : memref<!tpu.dma_semaphore, #tpu.memory_space<semaphore_mem>>)
        tpu.wait_dma2 semaphore(%run_scoped3A : memref<!tpu.dma_semaphore, #tpu.memory_space<semaphore_mem>>) src(%arg3 : memref<64x128xf32, #tpu.memory_space<hbm>>) dst(%arg6 : memref<64x128xf32, #tpu.memory_space<vmem_shared>>)
        tpu.yield
      }) : () -> ()
    } else {
    }
    %barrier3A = arith.constant 0 : index
    tpu.barrier barrier_id(%barrier3A)
    %scan3A = arith.constant 0 : i32
    %scan3A_5 = arith.constant 0 : i32
    %scan3A_6 = arith.constant 40 : i32
    %scan3A_7 = arith.addi %scan3A_5, %scan3A_6 : i32
    %scan3A_8 = arith.constant 1 : i32
    scf.for %scan3A_50 = %scan3A_5 to %scan3A_7 step %scan3A_8  : i32 {
      %mul3A_51 = arith.constant 5 : i32
      %mul3A_52 = arith.muli %scan3A_50, %mul3A_51 : i32
      %add3A_53 = arith.constant 0 : i32
      %add3A_54 = arith.addi %mul3A_52, %add3A_53 : i32
      %gt3A = arith.constant 0 : i32
      %gt3A_55 = arith.cmpi sgt, %scan3A_50, %gt3A : i32
      %convert_element_type3A_56 = arith.extui %gt3A_55 : i1 to i32
      %cond3A_57 = arith.constant 0 : i32
      %cond3A_58 = arith.cmpi ne, %convert_element_type3A_56, %cond3A_57 : i32
      scf.if %cond3A_58 {
        %dma_wait3A_150 = arith.constant 0 : i32
        %dma_wait3A_151 = tpu.memref_slice %arg4[%mul3A_2, %dma_wait3A_150] : memref<819200x128xf32, #tpu.memory_space<hbm>> -> memref<128x128xf32, #tpu.memory_space<hbm>>
        %dma_wait3A_152 = arith.constant 0 : i32
        %dma_wait3A_153 = tpu.memref_slice %arg4[%mul3A_2, %dma_wait3A_152] : memref<819200x128xf32, #tpu.memory_space<hbm>> -> memref<128x128xf32, #tpu.memory_space<hbm>>
        tpu.wait_dma2 semaphore(%arg17 : memref<!tpu.dma_semaphore, #tpu.memory_space<semaphore_mem>>) src(%arg7 : memref<128x128xf32, #tpu.memory_space<vmem>>) dst(%dma_wait3A_153 : memref<128x128xf32, #tpu.memory_space<hbm>>)
      } else {
      }
      %mul3A_59 = arith.constant 128 : i32
      %mul3A_60 = arith.muli %add3A_54, %mul3A_59 : i32
      %dma_start3A_61 = tpu.memref_slice %arg5[%mul3A_60] : memref<25600xi32, #tpu.memory_space<vmem>> -> memref<128xi32, #tpu.memory_space<vmem>>
      %dma_start3A_62 = arith.constant 0 : i32
      %dma_start3A_63 = arith.constant 0 : i32
      %dma_start3A_64 = tpu.memref_slice %arg6[%dma_start3A_62, %dma_start3A_63] : memref<64x128xf32, #tpu.memory_space<vmem_shared>> -> memref<64x128xf32, #tpu.memory_space<vmem_shared>>
      tpu.enqueue_indirect_dma source(%dma_start3A_64 : memref<64x128xf32, #tpu.memory_space<vmem_shared>>) target(%arg7 : memref<128x128xf32, #tpu.memory_space<vmem>>) offsets(%dma_start3A_61 : memref<128xi32, #tpu.memory_space<vmem>>) semaphore(%arg12 : memref<!tpu.dma_semaphore, #tpu.memory_space<semaphore_mem>>)
      %sub3A = arith.constant 2 : i32
      %sub3A_65 = arith.subi %add3A_54, %sub3A : i32
      %ge3A = arith.constant 0 : i32
      %ge3A_66 = arith.cmpi sge, %sub3A_65, %ge3A : i32
      %convert_element_type3A_67 = arith.extui %ge3A_66 : i1 to i32
      %cond3A_68 = arith.constant 0 : i32
      %cond3A_69 = arith.cmpi ne, %convert_element_type3A_67, %cond3A_68 : i32
      scf.if %cond3A_69 {
        %dma_wait3A_150 = arith.constant 0 : i32
        %dma_wait3A_151 = tpu.memref_slice %arg5[%dma_wait3A_150] : memref<25600xi32, #tpu.memory_space<vmem>> -> memref<128xi32, #tpu.memory_space<vmem>>
        %dma_wait3A_152 = arith.constant 0 : i32
        %dma_wait3A_153 = arith.constant 0 : i32
        %dma_wait3A_154 = tpu.memref_slice %arg6[%dma_wait3A_152, %dma_wait3A_153] : memref<64x128xf32, #tpu.memory_space<vmem_shared>> -> memref<64x128xf32, #tpu.memory_space<vmem_shared>>
        tpu.wait_indirect_dma semaphore(%arg15 : memref<!tpu.dma_semaphore, #tpu.memory_space<semaphore_mem>>) src(%dma_wait3A_154 : memref<64x128xf32, #tpu.memory_space<vmem_shared>>) dst(%arg10 : memref<128x128xf32, #tpu.memory_space<vmem>>)
        %mul3A_155 = arith.constant 128 : i32
        %mul3A_156 = arith.muli %sub3A_65, %mul3A_155 : i32
        %add3A_157 = arith.addi %mul3A_2, %mul3A_156 : i32
        %dma_start3A_158 = arith.constant 0 : i32
        %dma_start3A_159 = tpu.memref_slice %arg4[%add3A_157, %dma_start3A_158] : memref<819200x128xf32, #tpu.memory_space<hbm>> -> memref<128x128xf32, #tpu.memory_space<hbm>>
        %dma_start3A_160 = arith.constant 0 : i32
        %dma_start3A_161 = tpu.memref_slice %arg4[%add3A_157, %dma_start3A_160] : memref<819200x128xf32, #tpu.memory_space<hbm>> -> memref<128x128xf32, #tpu.memory_space<hbm>>
        tpu.enqueue_dma source(%arg10 : memref<128x128xf32, #tpu.memory_space<vmem>>) target(%dma_start3A_161 : memref<128x128xf32, #tpu.memory_space<hbm>>) target_semaphore(%arg20 : memref<!tpu.dma_semaphore, #tpu.memory_space<semaphore_mem>>)
      } else {
      }
      %add3A_70 = arith.constant 1 : i32
      %add3A_71 = arith.addi %mul3A_52, %add3A_70 : i32
      %gt3A_72 = arith.constant 0 : i32
      %gt3A_73 = arith.cmpi sgt, %scan3A_50, %gt3A_72 : i32
      %convert_element_type3A_74 = arith.extui %gt3A_73 : i1 to i32
      %cond3A_75 = arith.constant 0 : i32
      %cond3A_76 = arith.cmpi ne, %convert_element_type3A_74, %cond3A_75 : i32
      scf.if %cond3A_76 {
        %dma_wait3A_150 = arith.constant 0 : i32
        %dma_wait3A_151 = tpu.memref_slice %arg4[%mul3A_2, %dma_wait3A_150] : memref<819200x128xf32, #tpu.memory_space<hbm>> -> memref<128x128xf32, #tpu.memory_space<hbm>>
        %dma_wait3A_152 = arith.constant 0 : i32
        %dma_wait3A_153 = tpu.memref_slice %arg4[%mul3A_2, %dma_wait3A_152] : memref<819200x128xf32, #tpu.memory_space<hbm>> -> memref<128x128xf32, #tpu.memory_space<hbm>>
        tpu.wait_dma2 semaphore(%arg18 : memref<!tpu.dma_semaphore, #tpu.memory_space<semaphore_mem>>) src(%arg8 : memref<128x128xf32, #tpu.memory_space<vmem>>) dst(%dma_wait3A_153 : memref<128x128xf32, #tpu.memory_space<hbm>>)
      } else {
      }
      %mul3A_77 = arith.constant 128 : i32
      %mul3A_78 = arith.muli %add3A_71, %mul3A_77 : i32
      %dma_start3A_79 = tpu.memref_slice %arg5[%mul3A_78] : memref<25600xi32, #tpu.memory_space<vmem>> -> memref<128xi32, #tpu.memory_space<vmem>>
      %dma_start3A_80 = arith.constant 0 : i32
      %dma_start3A_81 = arith.constant 0 : i32
      %dma_start3A_82 = tpu.memref_slice %arg6[%dma_start3A_80, %dma_start3A_81] : memref<64x128xf32, #tpu.memory_space<vmem_shared>> -> memref<64x128xf32, #tpu.memory_space<vmem_shared>>
      tpu.enqueue_indirect_dma source(%dma_start3A_82 : memref<64x128xf32, #tpu.memory_space<vmem_shared>>) target(%arg8 : memref<128x128xf32, #tpu.memory_space<vmem>>) offsets(%dma_start3A_79 : memref<128xi32, #tpu.memory_space<vmem>>) semaphore(%arg13 : memref<!tpu.dma_semaphore, #tpu.memory_space<semaphore_mem>>)
      %sub3A_83 = arith.constant 2 : i32
      %sub3A_84 = arith.subi %add3A_71, %sub3A_83 : i32
      %ge3A_85 = arith.constant 0 : i32
      %ge3A_86 = arith.cmpi sge, %sub3A_84, %ge3A_85 : i32
      %convert_element_type3A_87 = arith.extui %ge3A_86 : i1 to i32
      %cond3A_88 = arith.constant 0 : i32
      %cond3A_89 = arith.cmpi ne, %convert_element_type3A_87, %cond3A_88 : i32
      scf.if %cond3A_89 {
        %dma_wait3A_150 = arith.constant 0 : i32
        %dma_wait3A_151 = tpu.memref_slice %arg5[%dma_wait3A_150] : memref<25600xi32, #tpu.memory_space<vmem>> -> memref<128xi32, #tpu.memory_space<vmem>>
        %dma_wait3A_152 = arith.constant 0 : i32
        %dma_wait3A_153 = arith.constant 0 : i32
        %dma_wait3A_154 = tpu.memref_slice %arg6[%dma_wait3A_152, %dma_wait3A_153] : memref<64x128xf32, #tpu.memory_space<vmem_shared>> -> memref<64x128xf32, #tpu.memory_space<vmem_shared>>
        tpu.wait_indirect_dma semaphore(%arg16 : memref<!tpu.dma_semaphore, #tpu.memory_space<semaphore_mem>>) src(%dma_wait3A_154 : memref<64x128xf32, #tpu.memory_space<vmem_shared>>) dst(%arg11 : memref<128x128xf32, #tpu.memory_space<vmem>>)
        %mul3A_155 = arith.constant 128 : i32
        %mul3A_156 = arith.muli %sub3A_84, %mul3A_155 : i32
        %add3A_157 = arith.addi %mul3A_2, %mul3A_156 : i32
        %dma_start3A_158 = arith.constant 0 : i32
        %dma_start3A_159 = tpu.memref_slice %arg4[%add3A_157, %dma_start3A_158] : memref<819200x128xf32, #tpu.memory_space<hbm>> -> memref<128x128xf32, #tpu.memory_space<hbm>>
        %dma_start3A_160 = arith.constant 0 : i32
        %dma_start3A_161 = tpu.memref_slice %arg4[%add3A_157, %dma_start3A_160] : memref<819200x128xf32, #tpu.memory_space<hbm>> -> memref<128x128xf32, #tpu.memory_space<hbm>>
        tpu.enqueue_dma source(%arg11 : memref<128x128xf32, #tpu.memory_space<vmem>>) target(%dma_start3A_161 : memref<128x128xf32, #tpu.memory_space<hbm>>) target_semaphore(%arg21 : memref<!tpu.dma_semaphore, #tpu.memory_space<semaphore_mem>>)
      } else {
      }
      %add3A_90 = arith.constant 2 : i32
      %add3A_91 = arith.addi %mul3A_52, %add3A_90 : i32
      %gt3A_92 = arith.constant 0 : i32
      %gt3A_93 = arith.cmpi sgt, %scan3A_50, %gt3A_92 : i32
      %convert_element_type3A_94 = arith.extui %gt3A_93 : i1 to i32
      %cond3A_95 = arith.constant 0 : i32
      %cond3A_96 = arith.cmpi ne, %convert_element_type3A_94, %cond3A_95 : i32
      scf.if %cond3A_96 {
        %dma_wait3A_150 = arith.constant 0 : i32
        %dma_wait3A_151 = tpu.memref_slice %arg4[%mul3A_2, %dma_wait3A_150] : memref<819200x128xf32, #tpu.memory_space<hbm>> -> memref<128x128xf32, #tpu.memory_space<hbm>>
        %dma_wait3A_152 = arith.constant 0 : i32
        %dma_wait3A_153 = tpu.memref_slice %arg4[%mul3A_2, %dma_wait3A_152] : memref<819200x128xf32, #tpu.memory_space<hbm>> -> memref<128x128xf32, #tpu.memory_space<hbm>>
        tpu.wait_dma2 semaphore(%arg19 : memref<!tpu.dma_semaphore, #tpu.memory_space<semaphore_mem>>) src(%arg9 : memref<128x128xf32, #tpu.memory_space<vmem>>) dst(%dma_wait3A_153 : memref<128x128xf32, #tpu.memory_space<hbm>>)
      } else {
      }
      %mul3A_97 = arith.constant 128 : i32
      %mul3A_98 = arith.muli %add3A_91, %mul3A_97 : i32
      %dma_start3A_99 = tpu.memref_slice %arg5[%mul3A_98] : memref<25600xi32, #tpu.memory_space<vmem>> -> memref<128xi32, #tpu.memory_space<vmem>>
      %dma_start3A_100 = arith.constant 0 : i32
      %dma_start3A_101 = arith.constant 0 : i32
      %dma_start3A_102 = tpu.memref_slice %arg6[%dma_start3A_100, %dma_start3A_101] : memref<64x128xf32, #tpu.memory_space<vmem_shared>> -> memref<64x128xf32, #tpu.memory_space<vmem_shared>>
      tpu.enqueue_indirect_dma source(%dma_start3A_102 : memref<64x128xf32, #tpu.memory_space<vmem_shared>>) target(%arg9 : memref<128x128xf32, #tpu.memory_space<vmem>>) offsets(%dma_start3A_99 : memref<128xi32, #tpu.memory_space<vmem>>) semaphore(%arg14 : memref<!tpu.dma_semaphore, #tpu.memory_space<semaphore_mem>>)
      %sub3A_103 = arith.constant 2 : i32
      %sub3A_104 = arith.subi %add3A_91, %sub3A_103 : i32
      %ge3A_105 = arith.constant 0 : i32
      %ge3A_106 = arith.cmpi sge, %sub3A_104, %ge3A_105 : i32
      %convert_element_type3A_107 = arith.extui %ge3A_106 : i1 to i32
      %cond3A_108 = arith.constant 0 : i32
      %cond3A_109 = arith.cmpi ne, %convert_element_type3A_107, %cond3A_108 : i32
      scf.if %cond3A_109 {
        %dma_wait3A_150 = arith.constant 0 : i32
        %dma_wait3A_151 = tpu.memref_slice %arg5[%dma_wait3A_150] : memref<25600xi32, #tpu.memory_space<vmem>> -> memref<128xi32, #tpu.memory_space<vmem>>
        %dma_wait3A_152 = arith.constant 0 : i32
        %dma_wait3A_153 = arith.constant 0 : i32
        %dma_wait3A_154 = tpu.memref_slice %arg6[%dma_wait3A_152, %dma_wait3A_153] : memref<64x128xf32, #tpu.memory_space<vmem_shared>> -> memref<64x128xf32, #tpu.memory_space<vmem_shared>>
        tpu.wait_indirect_dma semaphore(%arg12 : memref<!tpu.dma_semaphore, #tpu.memory_space<semaphore_mem>>) src(%dma_wait3A_154 : memref<64x128xf32, #tpu.memory_space<vmem_shared>>) dst(%arg7 : memref<128x128xf32, #tpu.memory_space<vmem>>)
        %mul3A_155 = arith.constant 128 : i32
        %mul3A_156 = arith.muli %sub3A_104, %mul3A_155 : i32
        %add3A_157 = arith.addi %mul3A_2, %mul3A_156 : i32
        %dma_start3A_158 = arith.constant 0 : i32
        %dma_start3A_159 = tpu.memref_slice %arg4[%add3A_157, %dma_start3A_158] : memref<819200x128xf32, #tpu.memory_space<hbm>> -> memref<128x128xf32, #tpu.memory_space<hbm>>
        %dma_start3A_160 = arith.constant 0 : i32
        %dma_start3A_161 = tpu.memref_slice %arg4[%add3A_157, %dma_start3A_160] : memref<819200x128xf32, #tpu.memory_space<hbm>> -> memref<128x128xf32, #tpu.memory_space<hbm>>
        tpu.enqueue_dma source(%arg7 : memref<128x128xf32, #tpu.memory_space<vmem>>) target(%dma_start3A_161 : memref<128x128xf32, #tpu.memory_space<hbm>>) target_semaphore(%arg17 : memref<!tpu.dma_semaphore, #tpu.memory_space<semaphore_mem>>)
      } else {
      }
      %add3A_110 = arith.constant 3 : i32
      %add3A_111 = arith.addi %mul3A_52, %add3A_110 : i32
      %gt3A_112 = arith.constant 0 : i32
      %gt3A_113 = arith.cmpi sgt, %scan3A_50, %gt3A_112 : i32
      %convert_element_type3A_114 = arith.extui %gt3A_113 : i1 to i32
      %cond3A_115 = arith.constant 0 : i32
      %cond3A_116 = arith.cmpi ne, %convert_element_type3A_114, %cond3A_115 : i32
      scf.if %cond3A_116 {
        %dma_wait3A_150 = arith.constant 0 : i32
        %dma_wait3A_151 = tpu.memref_slice %arg4[%mul3A_2, %dma_wait3A_150] : memref<819200x128xf32, #tpu.memory_space<hbm>> -> memref<128x128xf32, #tpu.memory_space<hbm>>
        %dma_wait3A_152 = arith.constant 0 : i32
        %dma_wait3A_153 = tpu.memref_slice %arg4[%mul3A_2, %dma_wait3A_152] : memref<819200x128xf32, #tpu.memory_space<hbm>> -> memref<128x128xf32, #tpu.memory_space<hbm>>
        tpu.wait_dma2 semaphore(%arg20 : memref<!tpu.dma_semaphore, #tpu.memory_space<semaphore_mem>>) src(%arg10 : memref<128x128xf32, #tpu.memory_space<vmem>>) dst(%dma_wait3A_153 : memref<128x128xf32, #tpu.memory_space<hbm>>)
      } else {
      }
      %mul3A_117 = arith.constant 128 : i32
      %mul3A_118 = arith.muli %add3A_111, %mul3A_117 : i32
      %dma_start3A_119 = tpu.memref_slice %arg5[%mul3A_118] : memref<25600xi32, #tpu.memory_space<vmem>> -> memref<128xi32, #tpu.memory_space<vmem>>
      %dma_start3A_120 = arith.constant 0 : i32
      %dma_start3A_121 = arith.constant 0 : i32
      %dma_start3A_122 = tpu.memref_slice %arg6[%dma_start3A_120, %dma_start3A_121] : memref<64x128xf32, #tpu.memory_space<vmem_shared>> -> memref<64x128xf32, #tpu.memory_space<vmem_shared>>
      tpu.enqueue_indirect_dma source(%dma_start3A_122 : memref<64x128xf32, #tpu.memory_space<vmem_shared>>) target(%arg10 : memref<128x128xf32, #tpu.memory_space<vmem>>) offsets(%dma_start3A_119 : memref<128xi32, #tpu.memory_space<vmem>>) semaphore(%arg15 : memref<!tpu.dma_semaphore, #tpu.memory_space<semaphore_mem>>)
      %sub3A_123 = arith.constant 2 : i32
      %sub3A_124 = arith.subi %add3A_111, %sub3A_123 : i32
      %ge3A_125 = arith.constant 0 : i32
      %ge3A_126 = arith.cmpi sge, %sub3A_124, %ge3A_125 : i32
      %convert_element_type3A_127 = arith.extui %ge3A_126 : i1 to i32
      %cond3A_128 = arith.constant 0 : i32
      %cond3A_129 = arith.cmpi ne, %convert_element_type3A_127, %cond3A_128 : i32
      scf.if %cond3A_129 {
        %dma_wait3A_150 = arith.constant 0 : i32
        %dma_wait3A_151 = tpu.memref_slice %arg5[%dma_wait3A_150] : memref<25600xi32, #tpu.memory_space<vmem>> -> memref<128xi32, #tpu.memory_space<vmem>>
        %dma_wait3A_152 = arith.constant 0 : i32
        %dma_wait3A_153 = arith.constant 0 : i32
        %dma_wait3A_154 = tpu.memref_slice %arg6[%dma_wait3A_152, %dma_wait3A_153] : memref<64x128xf32, #tpu.memory_space<vmem_shared>> -> memref<64x128xf32, #tpu.memory_space<vmem_shared>>
        tpu.wait_indirect_dma semaphore(%arg13 : memref<!tpu.dma_semaphore, #tpu.memory_space<semaphore_mem>>) src(%dma_wait3A_154 : memref<64x128xf32, #tpu.memory_space<vmem_shared>>) dst(%arg8 : memref<128x128xf32, #tpu.memory_space<vmem>>)
        %mul3A_155 = arith.constant 128 : i32
        %mul3A_156 = arith.muli %sub3A_124, %mul3A_155 : i32
        %add3A_157 = arith.addi %mul3A_2, %mul3A_156 : i32
        %dma_start3A_158 = arith.constant 0 : i32
        %dma_start3A_159 = tpu.memref_slice %arg4[%add3A_157, %dma_start3A_158] : memref<819200x128xf32, #tpu.memory_space<hbm>> -> memref<128x128xf32, #tpu.memory_space<hbm>>
        %dma_start3A_160 = arith.constant 0 : i32
        %dma_start3A_161 = tpu.memref_slice %arg4[%add3A_157, %dma_start3A_160] : memref<819200x128xf32, #tpu.memory_space<hbm>> -> memref<128x128xf32, #tpu.memory_space<hbm>>
        tpu.enqueue_dma source(%arg8 : memref<128x128xf32, #tpu.memory_space<vmem>>) target(%dma_start3A_161 : memref<128x128xf32, #tpu.memory_space<hbm>>) target_semaphore(%arg18 : memref<!tpu.dma_semaphore, #tpu.memory_space<semaphore_mem>>)
      } else {
      }
      %add3A_130 = arith.constant 4 : i32
      %add3A_131 = arith.addi %mul3A_52, %add3A_130 : i32
      %gt3A_132 = arith.constant 0 : i32
      %gt3A_133 = arith.cmpi sgt, %scan3A_50, %gt3A_132 : i32
      %convert_element_type3A_134 = arith.extui %gt3A_133 : i1 to i32
      %cond3A_135 = arith.constant 0 : i32
      %cond3A_136 = arith.cmpi ne, %convert_element_type3A_134, %cond3A_135 : i32
      scf.if %cond3A_136 {
        %dma_wait3A_150 = arith.constant 0 : i32
        %dma_wait3A_151 = tpu.memref_slice %arg4[%mul3A_2, %dma_wait3A_150] : memref<819200x128xf32, #tpu.memory_space<hbm>> -> memref<128x128xf32, #tpu.memory_space<hbm>>
        %dma_wait3A_152 = arith.constant 0 : i32
        %dma_wait3A_153 = tpu.memref_slice %arg4[%mul3A_2, %dma_wait3A_152] : memref<819200x128xf32, #tpu.memory_space<hbm>> -> memref<128x128xf32, #tpu.memory_space<hbm>>
        tpu.wait_dma2 semaphore(%arg21 : memref<!tpu.dma_semaphore, #tpu.memory_space<semaphore_mem>>) src(%arg11 : memref<128x128xf32, #tpu.memory_space<vmem>>) dst(%dma_wait3A_153 : memref<128x128xf32, #tpu.memory_space<hbm>>)
      } else {
      }
      %mul3A_137 = arith.constant 128 : i32
      %mul3A_138 = arith.muli %add3A_131, %mul3A_137 : i32
      %dma_start3A_139 = tpu.memref_slice %arg5[%mul3A_138] : memref<25600xi32, #tpu.memory_space<vmem>> -> memref<128xi32, #tpu.memory_space<vmem>>
      %dma_start3A_140 = arith.constant 0 : i32
      %dma_start3A_141 = arith.constant 0 : i32
      %dma_start3A_142 = tpu.memref_slice %arg6[%dma_start3A_140, %dma_start3A_141] : memref<64x128xf32, #tpu.memory_space<vmem_shared>> -> memref<64x128xf32, #tpu.memory_space<vmem_shared>>
      tpu.enqueue_indirect_dma source(%dma_start3A_142 : memref<64x128xf32, #tpu.memory_space<vmem_shared>>) target(%arg11 : memref<128x128xf32, #tpu.memory_space<vmem>>) offsets(%dma_start3A_139 : memref<128xi32, #tpu.memory_space<vmem>>) semaphore(%arg16 : memref<!tpu.dma_semaphore, #tpu.memory_space<semaphore_mem>>)
      %sub3A_143 = arith.constant 2 : i32
      %sub3A_144 = arith.subi %add3A_131, %sub3A_143 : i32
      %ge3A_145 = arith.constant 0 : i32
      %ge3A_146 = arith.cmpi sge, %sub3A_144, %ge3A_145 : i32
      %convert_element_type3A_147 = arith.extui %ge3A_146 : i1 to i32
      %cond3A_148 = arith.constant 0 : i32
      %cond3A_149 = arith.cmpi ne, %convert_element_type3A_147, %cond3A_148 : i32
      scf.if %cond3A_149 {
        %dma_wait3A_150 = arith.constant 0 : i32
        %dma_wait3A_151 = tpu.memref_slice %arg5[%dma_wait3A_150] : memref<25600xi32, #tpu.memory_space<vmem>> -> memref<128xi32, #tpu.memory_space<vmem>>
        %dma_wait3A_152 = arith.constant 0 : i32
        %dma_wait3A_153 = arith.constant 0 : i32
        %dma_wait3A_154 = tpu.memref_slice %arg6[%dma_wait3A_152, %dma_wait3A_153] : memref<64x128xf32, #tpu.memory_space<vmem_shared>> -> memref<64x128xf32, #tpu.memory_space<vmem_shared>>
        tpu.wait_indirect_dma semaphore(%arg14 : memref<!tpu.dma_semaphore, #tpu.memory_space<semaphore_mem>>) src(%dma_wait3A_154 : memref<64x128xf32, #tpu.memory_space<vmem_shared>>) dst(%arg9 : memref<128x128xf32, #tpu.memory_space<vmem>>)
        %mul3A_155 = arith.constant 128 : i32
        %mul3A_156 = arith.muli %sub3A_144, %mul3A_155 : i32
        %add3A_157 = arith.addi %mul3A_2, %mul3A_156 : i32
        %dma_start3A_158 = arith.constant 0 : i32
        %dma_start3A_159 = tpu.memref_slice %arg4[%add3A_157, %dma_start3A_158] : memref<819200x128xf32, #tpu.memory_space<hbm>> -> memref<128x128xf32, #tpu.memory_space<hbm>>
        %dma_start3A_160 = arith.constant 0 : i32
        %dma_start3A_161 = tpu.memref_slice %arg4[%add3A_157, %dma_start3A_160] : memref<819200x128xf32, #tpu.memory_space<hbm>> -> memref<128x128xf32, #tpu.memory_space<hbm>>
        tpu.enqueue_dma source(%arg9 : memref<128x128xf32, #tpu.memory_space<vmem>>) target(%dma_start3A_161 : memref<128x128xf32, #tpu.memory_space<hbm>>) target_semaphore(%arg19 : memref<!tpu.dma_semaphore, #tpu.memory_space<semaphore_mem>>)
      } else {
      }
    }
    %scan3A_9 = arith.constant 40 : i32
    %dma_wait3A = arith.constant 0 : i32
    %dma_wait3A_10 = tpu.memref_slice %arg5[%dma_wait3A] : memref<25600xi32, #tpu.memory_space<vmem>> -> memref<128xi32, #tpu.memory_space<vmem>>
    %dma_wait3A_11 = arith.constant 0 : i32
    %dma_wait3A_12 = arith.constant 0 : i32
    %dma_wait3A_13 = tpu.memref_slice %arg6[%dma_wait3A_11, %dma_wait3A_12] : memref<64x128xf32, #tpu.memory_space<vmem_shared>> -> memref<64x128xf32, #tpu.memory_space<vmem_shared>>
    tpu.wait_indirect_dma semaphore(%arg15 : memref<!tpu.dma_semaphore, #tpu.memory_space<semaphore_mem>>) src(%dma_wait3A_13 : memref<64x128xf32, #tpu.memory_space<vmem_shared>>) dst(%arg10 : memref<128x128xf32, #tpu.memory_space<vmem>>)
    %add3A_14 = arith.constant 25344 : i32
    %add3A_15 = arith.addi %mul3A_2, %add3A_14 : i32
    %dma_start3A = arith.constant 0 : i32
    %dma_start3A_16 = tpu.memref_slice %arg4[%add3A_15, %dma_start3A] : memref<819200x128xf32, #tpu.memory_space<hbm>> -> memref<128x128xf32, #tpu.memory_space<hbm>>
    %dma_start3A_17 = arith.constant 0 : i32
    %dma_start3A_18 = tpu.memref_slice %arg4[%add3A_15, %dma_start3A_17] : memref<819200x128xf32, #tpu.memory_space<hbm>> -> memref<128x128xf32, #tpu.memory_space<hbm>>
    tpu.enqueue_dma source(%arg10 : memref<128x128xf32, #tpu.memory_space<vmem>>) target(%dma_start3A_18 : memref<128x128xf32, #tpu.memory_space<hbm>>) target_semaphore(%arg20 : memref<!tpu.dma_semaphore, #tpu.memory_space<semaphore_mem>>)
    %dma_wait3A_19 = arith.constant 0 : i32
    %dma_wait3A_20 = tpu.memref_slice %arg5[%dma_wait3A_19] : memref<25600xi32, #tpu.memory_space<vmem>> -> memref<128xi32, #tpu.memory_space<vmem>>
    %dma_wait3A_21 = arith.constant 0 : i32
    %dma_wait3A_22 = arith.constant 0 : i32
    %dma_wait3A_23 = tpu.memref_slice %arg6[%dma_wait3A_21, %dma_wait3A_22] : memref<64x128xf32, #tpu.memory_space<vmem_shared>> -> memref<64x128xf32, #tpu.memory_space<vmem_shared>>
    tpu.wait_indirect_dma semaphore(%arg16 : memref<!tpu.dma_semaphore, #tpu.memory_space<semaphore_mem>>) src(%dma_wait3A_23 : memref<64x128xf32, #tpu.memory_space<vmem_shared>>) dst(%arg11 : memref<128x128xf32, #tpu.memory_space<vmem>>)
    %add3A_24 = arith.constant 25472 : i32
    %add3A_25 = arith.addi %mul3A_2, %add3A_24 : i32
    %dma_start3A_26 = arith.constant 0 : i32
    %dma_start3A_27 = tpu.memref_slice %arg4[%add3A_25, %dma_start3A_26] : memref<819200x128xf32, #tpu.memory_space<hbm>> -> memref<128x128xf32, #tpu.memory_space<hbm>>
    %dma_start3A_28 = arith.constant 0 : i32
    %dma_start3A_29 = tpu.memref_slice %arg4[%add3A_25, %dma_start3A_28] : memref<819200x128xf32, #tpu.memory_space<hbm>> -> memref<128x128xf32, #tpu.memory_space<hbm>>
    tpu.enqueue_dma source(%arg11 : memref<128x128xf32, #tpu.memory_space<vmem>>) target(%dma_start3A_29 : memref<128x128xf32, #tpu.memory_space<hbm>>) target_semaphore(%arg21 : memref<!tpu.dma_semaphore, #tpu.memory_space<semaphore_mem>>)
    %dma_wait3A_30 = arith.constant 0 : i32
    %dma_wait3A_31 = tpu.memref_slice %arg4[%mul3A_2, %dma_wait3A_30] : memref<819200x128xf32, #tpu.memory_space<hbm>> -> memref<128x128xf32, #tpu.memory_space<hbm>>
    %dma_wait3A_32 = arith.constant 0 : i32
    %dma_wait3A_33 = tpu.memref_slice %arg4[%mul3A_2, %dma_wait3A_32] : memref<819200x128xf32, #tpu.memory_space<hbm>> -> memref<128x128xf32, #tpu.memory_space<hbm>>
    tpu.wait_dma2 semaphore(%arg17 : memref<!tpu.dma_semaphore, #tpu.memory_space<semaphore_mem>>) src(%arg7 : memref<128x128xf32, #tpu.memory_space<vmem>>) dst(%dma_wait3A_33 : memref<128x128xf32, #tpu.memory_space<hbm>>)
    %dma_wait3A_34 = arith.constant 0 : i32
    %dma_wait3A_35 = tpu.memref_slice %arg4[%mul3A_2, %dma_wait3A_34] : memref<819200x128xf32, #tpu.memory_space<hbm>> -> memref<128x128xf32, #tpu.memory_space<hbm>>
    %dma_wait3A_36 = arith.constant 0 : i32
    %dma_wait3A_37 = tpu.memref_slice %arg4[%mul3A_2, %dma_wait3A_36] : memref<819200x128xf32, #tpu.memory_space<hbm>> -> memref<128x128xf32, #tpu.memory_space<hbm>>
    tpu.wait_dma2 semaphore(%arg18 : memref<!tpu.dma_semaphore, #tpu.memory_space<semaphore_mem>>) src(%arg8 : memref<128x128xf32, #tpu.memory_space<vmem>>) dst(%dma_wait3A_37 : memref<128x128xf32, #tpu.memory_space<hbm>>)
    %dma_wait3A_38 = arith.constant 0 : i32
    %dma_wait3A_39 = tpu.memref_slice %arg4[%mul3A_2, %dma_wait3A_38] : memref<819200x128xf32, #tpu.memory_space<hbm>> -> memref<128x128xf32, #tpu.memory_space<hbm>>
    %dma_wait3A_40 = arith.constant 0 : i32
    %dma_wait3A_41 = tpu.memref_slice %arg4[%mul3A_2, %dma_wait3A_40] : memref<819200x128xf32, #tpu.memory_space<hbm>> -> memref<128x128xf32, #tpu.memory_space<hbm>>
    tpu.wait_dma2 semaphore(%arg19 : memref<!tpu.dma_semaphore, #tpu.memory_space<semaphore_mem>>) src(%arg9 : memref<128x128xf32, #tpu.memory_space<vmem>>) dst(%dma_wait3A_41 : memref<128x128xf32, #tpu.memory_space<hbm>>)
    %dma_wait3A_42 = arith.constant 0 : i32
    %dma_wait3A_43 = tpu.memref_slice %arg4[%mul3A_2, %dma_wait3A_42] : memref<819200x128xf32, #tpu.memory_space<hbm>> -> memref<128x128xf32, #tpu.memory_space<hbm>>
    %dma_wait3A_44 = arith.constant 0 : i32
    %dma_wait3A_45 = tpu.memref_slice %arg4[%mul3A_2, %dma_wait3A_44] : memref<819200x128xf32, #tpu.memory_space<hbm>> -> memref<128x128xf32, #tpu.memory_space<hbm>>
    tpu.wait_dma2 semaphore(%arg20 : memref<!tpu.dma_semaphore, #tpu.memory_space<semaphore_mem>>) src(%arg10 : memref<128x128xf32, #tpu.memory_space<vmem>>) dst(%dma_wait3A_45 : memref<128x128xf32, #tpu.memory_space<hbm>>)
    %dma_wait3A_46 = arith.constant 0 : i32
    %dma_wait3A_47 = tpu.memref_slice %arg4[%mul3A_2, %dma_wait3A_46] : memref<819200x128xf32, #tpu.memory_space<hbm>> -> memref<128x128xf32, #tpu.memory_space<hbm>>
    %dma_wait3A_48 = arith.constant 0 : i32
    %dma_wait3A_49 = tpu.memref_slice %arg4[%mul3A_2, %dma_wait3A_48] : memref<819200x128xf32, #tpu.memory_space<hbm>> -> memref<128x128xf32, #tpu.memory_space<hbm>>
    tpu.wait_dma2 semaphore(%arg21 : memref<!tpu.dma_semaphore, #tpu.memory_space<semaphore_mem>>) src(%arg11 : memref<128x128xf32, #tpu.memory_space<vmem>>) dst(%dma_wait3A_49 : memref<128x128xf32, #tpu.memory_space<hbm>>)
    return
  }
}

</mosaic_0001>

<sc_bundles>
// kernel: kernel.3.cloned.1.call-start
scs
__scs_entry_jumppad:
0x0: {  	(pc) =	sbr.rel $0x88, $3  }
0x1: {  	(tag) =	ssettag $0x0;
	lr =	simm.s32 $0x1  }
0x2: {  	[smem:$0x3F9F] =	sst lr;
	_ =	strace $0xD0000000  }
0x3: {  	_ = 	snop  }
0x4: {  	_ = 	snop  }
0x5: {  	_ = 	snop  }
0x6: {  	_ = 	snop  }
0x7: {  	_ = 	snop  }
__scs_overlays_trampoline_lowered:
0x8: {  	[smem:$0x3FAE] =	sst s0  }
0x9: {  	[smem:$0x3FAF] =	sst s1  }
0xa: {  	[smem:$0x3FB0] =	sst s2  }
0xb: {  	[smem:$0x3FB1] =	sst s3  }
0xc: {  	[smem:$0x3FB2] =	sst s4  }
0xd: {  	[smem:$0x3FB3] =	sst s5  }
0xe: {  	[smem:$0x3FB4] =	sst s6  }
0xf: {  	[smem:$0x3FB5] =	sst s7  }
0x10: {  	[smem:$0x3FB6] =	sst s8  }
0x11: {  	[smem:$0x3FB7] =	sst s9;
	s0 =	simm.s32 @!p0 $0x0  }
0x12: {  	s1 =	sld [smem:$0x3F9D];
	s0 =	simm.s32 @p0 $0x1  }
0x13: {  	[smem:$0x3FB8] =	sst s0;
	s0 =	simm.s32 @!p1 $0x0  }
0x14: {  	s2 =	sld [smem:$0x3F9C];
	s0 =	simm.s32 @p1 $0x1  }
0x15: {  	[smem:$0x3FB9] =	sst s0;
	s0 =	simm.s32 @!p2 $0x0  }
0x16: {  	s3 =	sld [smem:$0x3FDB];
	s0 =	simm.s32 @p2 $0x1  }
0x17: {  	s4 =	simm.s32 $0x1BF5;
	[smem:$0x3FBB] =	sst s0  }
0x18: {  	s0 =	sld [smem:$0x3F9E];
	_ =	swait.ge [sflag:s4], $0x0  }
0x19: {  	s7 =	sld [smem:$0x3F9F]  }
0x1a: {  	s8 =	sadd.s32 $0xFFFFE003, lr  }
0x1b: {  	s9 =	sadd.s32 $0xFFFFFEF7, lr;
	s5 =	simm.s32 $0xFFFFFFFF;
	p2 =	slt.u32 s8, $0xFFFFF086  }
0x1c: {  	p1 =	slt.u32 s9, $0xF7A;
	s5 =	simm.s32 @!p2 $0x0  }
0x1d: {  	s5 =	simm.s32 @p1 $0x1;
	p0 =	seq.s32 s7, s2  }
0x1e: {  	s7 =	smul.u32 @!p0 $0xF7A, s2;
	p2 =	seq.s32 @!p0 s5, $0x0  }
0x1f: {  	s9 =	smul.u32 $0xF7A, s1;
	s8 =	simm.s32 @!p0 $0x1BF5;
	p2 =	por !p2, p0  }
0x20: {  	[sflag:s8] =	ssyncset.s32 @!p0 $0xFFFFF086;
	s6 =	sadd.s32 @!p0 s3, s7;
	s7 =	simm.s32 @!p0 $0x108  }
0x21: {  	s3 =	sadd.s32 s3, s9;
	s6 =	sadd.s32 @!p0 $0x88, s6;
	s7 =	simm.s32 @p2 $0x1082  }
0x22: {  	[simem:s7], [sflag:s8] =	dma.local @!p0 [hbm:s6], $0xF7A  }
0x23: {  	s9 =	sor.u32 $0xD0000000, s2;
	s6 =	simm.s32 $0x108;
	_ =	swait.ge @!p0 [sflag:s8], $0x0  }
0x24: {  	s3 =	sadd.s32 $0x88, s3;
	s6 =	simm.s32 @!p1 $0x1082;
	[sflag:s4] =	ssyncset.s32 $0xFFFFF086  }
0x25: {  	[simem:s6], [sflag:s4] =	dma.local [hbm:s3], $0xF7A  }
0x26: {  	[smem:$0x3F9F] =	sst s1;
	(tag) =	ssettag s2;
	_ =	strace s9  }
0x27: {  	s1 =	sld [smem:$0x3FAF]  }
0x28: {  	s2 =	sld [smem:$0x3FB0]  }
0x29: {  	s4 =	sld [smem:$0x3FB2]  }
0x2a: {  	p0 =	seq.s32 s5, $0x0;
	s5 =	sld [smem:$0x3FB3]  }
0x2b: {  	s6 =	sld [smem:$0x3FB4]  }
0x2c: {  	s7 =	sld [smem:$0x3FB5]  }
0x2d: {  	s3 =	simm.s32 $0x108;
	s8 =	sld [smem:$0x3FB6]  }
0x2e: {  	s3 =	simm.s32 @!p0 $0x1082;
	s9 =	sld [smem:$0x3FB7]  }
0x2f: {  	lr =	sadd.s32 s0, s3;
	s0 =	sld [smem:$0x3FAE]  }
0x30: {  	s3 =	sld [smem:$0x3FB1]  }
0x31: {  	[smem:$0x3FBA] =	sst s10  }
0x32: {  	s10 =	sld [smem:$0x3FB8];
	_ =	sdelay $0x3  }
0x33: {  	p0 =	seq.s32 s10, $0x1;
	s10 =	sld [smem:$0x3FBA];
	_ =	sdelay $0x3  }
0x34: {  	[smem:$0x3FBA] =	sst s10  }
0x35: {  	s10 =	sld [smem:$0x3FB9];
	_ =	sdelay $0x3  }
0x36: {  	p1 =	seq.s32 s10, $0x1;
	s10 =	sld [smem:$0x3FBA];
	_ =	sdelay $0x3  }
0x37: {  	[smem:$0x3FBA] =	sst s10  }
0x38: {  	s10 =	sld [smem:$0x3FBB]  }
0x39: {  	_ = 	snop;
	(pc) =	sbr.ind lr, $3  }
0x3a: {  	_ = 	snop  }
0x3b: {  	_ = 	snop  }
0x3c: {  	p2 =	seq.s32 s10, $0x1;
	s10 =	sld [smem:$0x3FBA]  }
0x3d: {  	_ =	shalt  }
0x3e: {  	_ =	shalt  }
0x3f: {  	_ =	shalt  }
0x40: {  	_ =	shalt  }
0x41: {  	_ =	shalt  }
0x42: {  	_ =	shalt  }
0x43: {  	_ =	shalt  }
0x44: {  	_ =	shalt  }
0x45: {  	_ =	shalt  }
0x46: {  	_ =	shalt  }
0x47: {  	_ =	shalt  }
0x48: {  	_ =	shalt  }
0x49: {  	_ =	shalt  }
0x4a: {  	_ =	shalt  }
0x4b: {  	_ =	shalt  }
0x4c: {  	_ =	shalt  }
0x4d: {  	_ =	shalt  }
0x4e: {  	_ =	shalt  }
0x4f: {  	_ =	shalt  }
0x50: {  	_ =	shalt  }
0x51: {  	_ =	shalt  }
0x52: {  	_ =	shalt  }
0x53: {  	_ =	shalt  }
0x54: {  	_ =	shalt  }
0x55: {  	_ =	shalt  }
0x56: {  	_ =	shalt  }
0x57: {  	_ =	shalt  }
0x58: {  	_ =	shalt  }
0x59: {  	_ =	shalt  }
0x5a: {  	_ =	shalt  }
0x5b: {  	_ =	shalt  }
0x5c: {  	_ =	shalt  }
0x5d: {  	_ =	shalt  }
0x5e: {  	_ =	shalt  }
0x5f: {  	_ =	shalt  }
0x60: {  	_ =	shalt  }
0x61: {  	_ =	shalt  }
0x62: {  	_ =	shalt  }
0x63: {  	_ =	shalt  }
0x64: {  	_ =	shalt  }
0x65: {  	_ =	shalt  }
0x66: {  	_ =	shalt  }
0x67: {  	_ =	shalt  }
0x68: {  	_ =	shalt  }
0x69: {  	_ =	shalt  }
0x6a: {  	_ =	shalt  }
0x6b: {  	_ =	shalt  }
0x6c: {  	_ =	shalt  }
0x6d: {  	_ =	shalt  }
0x6e: {  	_ =	shalt  }
0x6f: {  	_ =	shalt  }
0x70: {  	_ =	shalt  }
0x71: {  	_ =	shalt  }
0x72: {  	_ =	shalt  }
0x73: {  	_ =	shalt  }
0x74: {  	_ =	shalt  }
0x75: {  	_ =	shalt  }
0x76: {  	_ =	shalt  }
0x77: {  	_ =	shalt  }
0x78: {  	_ =	shalt  }
0x79: {  	_ =	shalt  }
0x7a: {  	_ =	shalt  }
0x7b: {  	_ =	shalt  }
0x7c: {  	_ =	shalt  }
0x7d: {  	_ =	shalt  }
0x7e: {  	_ =	shalt  }
0x7f: {  	_ =	shalt  }
0x80: {  	_ =	shalt  }
0x81: {  	_ =	shalt  }
0x82: {  	_ =	shalt  }
0x83: {  	_ =	shalt  }
0x84: {  	_ =	shalt  }
0x85: {  	_ =	shalt  }
0x86: {  	_ =	shalt  }
0x87: {  	_ =	shalt  }
.Lfunc_end0:
.L_simem_size_0:
called_computation_lowered:
.L_overlay_start_0:
0x88: {  	s2 =	sld [smem:$0x3FD9]  }
0x89: {  	s3 =	sld [smem:$0x3FFE];
	_ =	sdelay $0x1  }
0x8a: {  	s1 =	srdreg.scid  }
0x8b: {  	s0 =	sand.u32 $0x1, s1  }
0x8c: {  	s17 =	sshll.u32 s0, $0xA;
	s2 =	sadd.s32 s3, s2  }
0x8d: {  	s2 =	sadd.s32 s2, s17  }
0x8e: {  	[smem:$0x3FC6] =	sst s2  }
0x8f: {  	_ = 	snop  }
0x90: {  	s2 =	sld [smem:$0x3FC8]  }
0x91: {  	s18 =	sld [smem:$0x3FD0];
	(tm) =	ssettm $0x1  }
0x92: {  	s4 =	sld [smem:$0x3FFB];
	_ =	sdelay $0x3  }
0x93: {  	_ =	strace s4  }
0x94: {  	s4 =	sld [smem:$0x3FFC];
	_ =	sdelay $0x3  }
0x95: {  	_ =	strace s4  }
0x96: {  	s4 =	sld [smem:$0x3FFD];
	_ =	sdelay $0x3  }
0x97: {  	_ =	strace s4  }
0x98: {  	_ =	strace $0x8FFFFFFF  }
0x99: {  	s19 =	sld [smem:$0x3FDB];
	_ =	sdelay $0x1  }
0x9a: {  	s5 =	simm.s32 $_scs_section_size  }
0x9b: {  	s6 =	simm.s32 $_size__tile_overlayer_lowered;
	s7 =	simm.s32 $_tile_overlayer_lowered  }
0x9c: {  	s22 =	simm.s32 $0x1BFF;
	s21 =	sshll.u32 s7, $0x1;
	s4 =	sadd.s32 s5, s19  }
0x9d: {  	s8 =	simm.s32 $0x0;
	s20 =	sshll.u32 s6, $0x1;
	s6 =	sadd.s32 s21, s4  }
0x9e: {  	[timem:s8], [sflag:s22] =	dma.local [hbm:s6], s20  }
0x9f: {  	_ =	swait.ge [sflag:s22], s20  }
0xa0: {  	s5 =	ssub.s32 $0x0, s20;
	[sflag:s22] =	ssyncset.done $0x0  }
0xa1: {  	[sflag:s22] =	ssyncadd.s32 s5;
	_ =	sdelay $0x1  }
0xa2: {  	s23 =	simm.s32 $0x1B8B  }
0xa3: {  	_ =	swait.ge [sflag:s23], $0x1  }
0xa4: {  	[sflag:s23] =	ssyncset.done $0x0  }
0xa5: {  	s25 =	simm.s32 $0x1B8E;
	s24 =	sld [smem:$0x3FFE];
	[sflag:s23] =	ssyncadd.s32 $0xFFFFFFFF  }
0xa6: {  	s26 =	simm.s32 $execute0_lowered;
	[smem:$0x3FD2] =	sst s25  }
0xa7: {  	s6 =	sshll.u32 s26, $0x1;
	_ =	strace $0x80000046;
	[dreg:$0x1] =	wrdreg $0xFFFFFFFF  }
0xa8: {  	s28 =	simm.s32 $_size_execute0_lowered;
	s4 =	sadd.s32 s4, s6;
	[dreg:$0x0] =	wrdreg $0x0  }
0xa9: {  	s6 =	sshll.u32 s28, $0x1;
	[dreg:$0x2] =	wrdreg s4  }
0xaa: {  	[dreg:$0x3] =	wrdreg s6  }
0xab: {  	[dreg:$0x4] =	wrdreg $0xC0  }
0xac: {  	_ =	task [dreg:s8], $0x5FFFF  }
0xad: {  	[dreg:$0x1] =	wrdreg $0xFFFFFFFF  }
0xae: {  	[dreg:$0x0] =	wrdreg $0x60  }
0xaf: {  	[dreg:$0x2] =	wrdreg s24  }
0xb0: {  	[dreg:$0x3] =	wrdreg s2  }
0xb1: {  	[dreg:$0x4] =	wrdreg s18  }
0xb2: {  	[dreg:$0x5] =	wrdreg $0x64000  }
0xb3: {  	[dreg:$0x6] =	wrdreg $0x9  }
0xb4: {  	_ =	task.clear_ibuf [dreg:s8], $0x7FFFF;
	_ =	strace $0x90000046  }
0xb5: {  	s29 =	simm.s32 $0x9;
	_ =	strace $0x80000048  }
0xb6: {  	_ =	swait.ge [sflag:s29], $0x1  }
0xb7: {  	[sflag:s29] =	ssyncadd.s32 $0xFFFFFFFF  }
0xb8: {  	_ =	strace $0x90000048  }
0xb9: {  	_ =	sfence  }
0xba: {  	s30 =	sld [smem:$0x0];
	_ =	sdelay $0x2  }
0xbb: {  	s31 =	sshll.u32 s1, $0xD;
	s1 =	sshrl.u32 s1, $0x2  }
0xbc: {  	s3 =	sand.u32 $0x4000, s31;
	s1 =	sadd.s32 s1, s30  }
0xbd: {  	s0 =	sor.u32 s3, s0;
	s1 =	sshll.u32 s1, $0x11  }
0xbe: {  	s0 =	sor.u32 s1, s0  }
0xbf: {  	s0 =	sadd.s32 $0x8F2B, s0  }
0xc0: {  	[sflag:s0] =	ssyncadd.remote.s32 $0x1  }
0xc1: {  	_ =	sfence.sel $0xFFFF  }
0xc2: {  	[dreg:$0x0] =	wrdreg $0xFFFFFFFF;
	(pc) =	sbr.abs _section_cstart, $3  }
0xc3: {  	[dreg:$0x1] =	wrdreg $0xFFFFFFFF  }
0xc4: {  	_ =	task.clear_ibuf [dreg:s8], $0x2FFFF;
	_ =	strace $0x9FFFFFFF  }
0xc5: {  	(tm) =	ssettm $0x7FFFFFFF  }
tec
execute0_lowered:
.L_overlay_start_1:
0x0: {  	(tag) =	ssettag $0x1  }
0x1: {  	s0 =	rddreg [dreg:$0x0]  }
0x2: {  	s1 =	srdreg.scid;
	s2 =	rddreg [dreg:$0x2]  }
0x3: {  	s7 =	stileid.u32;
	s3 =	rddreg [dreg:$0x3]  }
0x4: {  	s24 =	simm.s32 $0x0;
	s12 =	simm.s32 $0xE600;
	s30 =	simm.s32 $0x6600  }
0x5: {  	s1 =	sand.u32 $0x1, s1;
	s4 =	sshll.u32 s7, $0x1;
	s9 =	smul.u32 $0x640000, s7  }
0x6: {  	s6 =	sor.u32 s1, s4;
	s25 =	ssub.s32 $0x2, s1;
	s1 =	smul.u32 $0x320000, s1  }
0x7: {  	s31 =	simm.s32 $0xA600;
	[smem:$0x7FF] =	sst s24;
	s14 =	smul.u32 $0x6400, s6  }
0x8: {  	_ =	strace $0x80000047;
	[dreg:$0x6] =	wrdreg s30;
	s6 =	smul.u32 $0x320000, s6  }
0x9: {  	[dreg:$0x7] =	wrdreg s31;
	s10 =	sshrl.u32 s25, $0x1;
	s8 =	sshrl.u32 s14, $0x3  }
0xa: {  	s28 =	sadd.s32 s1, s9;
	s11 =	sshrl.u32 s6, $0x3;
	s0 =	sadd.s32 s8, s0  }
0xb: {  	[dreg:$0x5] =	wrdreg s28;
	s26 =	sadd.s32 s2, s11;
	s0 =	sadd.s32 $0x400, s0  }
0xc: {  	s8 =	ssub.s32 s25, s10;
	s5 =	sadd.s32 $0x63000, s26;
	[dreg:$0x8] =	wrdreg s0  }
0xd: {  	s15 =	simm.s32 $0x1;
	s29 =	smax.u32 s8, $0x1;
	[dreg:$0x9] =	wrdreg s5  }
0xe: {  	p0 =	sne.s32 s7, $0x0;
	s0 =	sadd.s32 $0x63800, s26;
	[dreg:$0xb] =	wrdreg s29  }
0xf: {  	s17 =	simm.s32 $0x2;
	[dreg:$0xa] =	wrdreg s0;
	s0 =	sshrl.u32 @!p0 s3, $0x3  }
0x10: {  	s19 =	simm.s32 $0x3;
	s4 =	simm.s32 $0x0;
	[dreg:$0xc] =	wrdreg s0  }
.LBB2_1:
0x11: {  	[dreg:$0xd] =	wrdreg s4  }
0x12: {  	s0 =	rddreg [dreg:$0x8];
	s28 =	simm.s32 $0x0;
	s10 =	simm.s32 $0xB  }
0x13: {  	[tilespmem:s28], [sflag:$0xB] =	stream.linear.gather [hbm4b:s0+s28], $0x6400, $0x38;
	[tilespmem:$0x1A600] =	vst v63  }
0x14: {  	_ =	swait.ge [sflag:s10], $0x6400  }
0x15: {  	[sflag:s10] =	ssyncset.done $0x0  }
0x16: {  	s5 =	rddreg [dreg:$0xc];
	[sflag:s10] =	ssyncadd.s32 $0xFFFF9C00  }
0x17: {  	s0 =	simm.s32 @!p0 $0x1C0B;
	s1 =	rddreg [dreg:$0x1]  }
0x18: {  	[spmem:s5], [sflag:s0] =	dma.local @!p0 [hbm:s1], $0x400  }
0x19: {  	s0 =	simm.s32 @!p0 $0xB  }
0x1a: {  	_ =	swait.ge @!p0 [sflag:s0], $0x400  }
0x1b: {  	p1 =	por $0x0, $0x0;
	[sflag:s0] =	ssyncset.done @!p0 $0x0  }
0x1c: {  	p2 =	por p1, p1;
	[sflag:s0] =	ssyncadd.s32 @!p0 $0xFFFFFC00  }
0x1d: {  	s0 =	simm.s32 @p2 $0x6;
	[bflag:$0x0] =	sbarrier.arrive $0xFFFF  }
0x1e: {  	s29 =	simm.s32 $0xA00;
	_ =	swait.ge @p2 [sflag:s0], $0x4000  }
0x1f: {  	s7 =	simm.s32 @p2 $0x4;
	s8 =	simm.s32 @p2 $0x80;
	[sflag:s0] =	ssyncset.done @p2 $0x0  }
0x20: {  	s1 =	simm.s32 @p2 $0x6600;
	[sflag:s0] =	ssyncadd.s32 @p2 $0xFFFFC000;
	s0 =	simm.s32 @p2 $0x0  }
0x21: {  	[tilespmem:s1], [sflag:$0x1] =	stream.indirect.gather @p2 [spmem:s3], $0x80, s0, s8, $0xb8;
	[tilespmem:$0x1A600] =	vst v63  }
0x22: {  	s16 =	simm.s32 $0x80;
	s20 =	simm.s32 $0x180;
	_ =	swait.ge @p2 [sflag:s7], $0x4000  }
0x23: {  	s23 =	simm.s32 $0x12600;
	s26 =	simm.s32 $0x200;
	s0 =	rddreg [dreg:$0x5]  }
0x24: {  	s11 =	simm.s32 @p2 $0x5;
	s10 =	simm.s32 @p2 $0x12600;
	s0 =	sadd.s32 @p2 $0x4000, s0  }
0x25: {  	s1 =	simm.s32 @p2 $0x7;
	[sflag:s7] =	ssyncset.done @p2 $0x0;
	s9 =	sadd.s32 @p2 $0xFFFF4000, s0  }
0x26: {  	[sflag:s7] =	ssyncadd.s32 @p2 $0xFFFFC000;
	s0 =	sadd.s32 @p2 $0xFFFF8000, s0;
	s9 =	sshrl.u32 @p2 s9, $0x3  }
0x27: {  	s0 =	sshrl.u32 @p2 s0, $0x3;
	s7 =	sadd.s32 @p2 s2, s9;
	s9 =	simm.s32 @p2 $0x0  }
0x28: {  	[hbm4b:s7+s9] =	stream.linear.scatter @p2 [tilespmem:s10], [sflag:$0x9], $0x4000, $0x38;
	[tilespmem:$0x1A600] =	vst v63  }
0x29: {  	s0 =	sadd.s32 @p2 s2, s0;
	s7 =	simm.s32 $0x4000;
	_ =	swait.ge @p2 [sflag:s1], $0x4000  }
0x2a: {  	s10 =	simm.s32 @p2 $0x80;
	s7 =	simm.s32 @!p1 $0x4000;
	[sflag:s1] =	ssyncset.done @p2 $0x0  }
0x2b: {  	s7 =	sadd.s32 s6, s7;
	[sflag:s1] =	ssyncadd.s32 @p2 $0xFFFFC000;
	s1 =	simm.s32 @p2 $0xA600  }
0x2c: {  	[tilespmem:s1], [sflag:$0x2] =	stream.indirect.gather @p2 [spmem:s3], $0x80, s10, s8, $0xb8;
	[tilespmem:$0x1A600] =	vst v63  }
0x2d: {  	s18 =	sshrl.u32 s7, $0x3;
	s1 =	simm.s32 $0x2;
	_ =	swait.ge @p2 [sflag:s11], $0x4000  }
0x2e: {  	s8 =	simm.s32 @p2 $0x8;
	s1 =	simm.s32 @!p1 $0x2;
	[sflag:s11] =	ssyncset.done @p2 $0x0  }
0x2f: {  	s10 =	simm.s32 @p2 $0x16600;
	[sflag:s11] =	ssyncadd.s32 @p2 $0xFFFFC000;
	s11 =	sshll.u32 s1, $0x7  }
0x30: {  	[hbm4b:s0+s9] =	stream.linear.scatter @p2 [tilespmem:s10], [sflag:$0xA], $0x4000, $0x38;
	[tilespmem:$0x1A600] =	vst v63  }
0x31: {  	s1 =	sshll.u32 s1, $0xE;
	s0 =	simm.s32 $0x0;
	s9 =	simm.s32 @!p2 $0x6600  }
0x32: {  	s10 =	simm.s32 @!p2 $0x0;
	s13 =	sand.u32 $0x3FFFFF80, s11;
	_ =	swait.ge @p2 [sflag:s8], $0x4000  }
0x33: {  	s1 =	sadd.s32 s6, s1;
	s11 =	simm.s32 $0x7;
	[sflag:s8] =	ssyncset.done @p2 $0x0  }
0x34: {  	s0 =	simm.s32 @!p1 $0x0;
	[sflag:s8] =	ssyncadd.s32 @p2 $0xFFFFC000;
	s8 =	simm.s32 @!p2 $0x80  }
0x35: {  	[tilespmem:s9], [sflag:$0x1] =	stream.indirect.gather @!p2 [spmem:s3], $0x80, s10, s8, $0xb8;
	[tilespmem:$0x1A600] =	vst v63  }
0x36: {  	p1 =	por $0x1, $0x1;
	s0 =	sadd.s32 s14, s0;
	s10 =	simm.s32 @!p2 $0xA600  }
0x37: {  	[tilespmem:s10], [sflag:$0x2] =	stream.indirect.gather @!p2 [spmem:s3], $0x80, s8, s8, $0xb8;
	[tilespmem:$0x1A600] =	vst v63  }
0x38: {  	s22 =	sshrl.u32 s1, $0x3;
	s11 =	simm.s32 @!p1 $0x2;
	s0 =	sshll.u32 s0, $0x4  }
0x39: {  	[tilespmem:s12], [sflag:$0x3] =	stream.indirect.gather [spmem:s3], $0x80, s13, s16, $0xb8;
	[tilespmem:$0x1A600] =	vst v63  }
0x3a: {  	s1 =	sshll.u32 s11, $0x7;
	s11 =	sshll.u32 s11, $0xE;
	_ =	swait.ge [sflag:s15], $0x4000  }
0x3b: {  	s0 =	sadd.s32 s2, s0;
	p2 =	por $0x1, $0x1;
	[sflag:s15] =	ssyncset.done $0x0  }
0x3c: {  	s12 =	simm.s32 @!p2 $0x9;
	s21 =	rddreg [dreg:$0x6];
	[sflag:s15] =	ssyncadd.s32 $0xFFFFC000  }
0x3d: {  	[hbm4b:s0+s28] =	stream.linear.scatter [tilespmem:s21], [sflag:$0x6], $0x4000, $0x38;
	[tilespmem:$0x1A600] =	vst v63  }
0x3e: {  	s7 =	simm.s32 $0x1400;
	s25 =	sadd.s32 s6, s11;
	_ =	swait.ge @!p2 [sflag:s12], $0x4000  }
0x3f: {  	s9 =	sadd.s32 s2, s18;
	s30 =	sshrl.u32 s25, $0x3;
	[sflag:s12] =	ssyncset.done @!p2 $0x0  }
0x40: {  	s8 =	simm.s32 $0x18000;
	s0 =	simm.s32 $0x280;
	[sflag:s12] =	ssyncadd.s32 @!p2 $0xFFFFC000  }
0x41: {  	[tilespmem:s23], [sflag:$0x4] =	stream.indirect.gather [spmem:s3], $0x80, s20, s16, $0xb8;
	[tilespmem:$0x1A600] =	vst v63  }
0x42: {  	s10 =	simm.s32 $0x2C000;
	s0 =	simm.s32 @!p1 $0x0;
	_ =	swait.ge [sflag:s17], $0x4000  }
0x43: {  	s21 =	simm.s32 @!p2 $0xA;
	s0 =	sadd.s32 s14, s0;
	[sflag:s17] =	ssyncset.done $0x0  }
0x44: {  	s12 =	simm.s32 $0x18000;
	s24 =	rddreg [dreg:$0x7];
	[sflag:s17] =	ssyncadd.s32 $0xFFFFC000  }
0x45: {  	[hbm4b:s9+s28] =	stream.linear.scatter [tilespmem:s24], [sflag:$0x7], $0x4000, $0x38;
	[tilespmem:$0x1A600] =	vst v63  }
0x46: {  	s0 =	sshll.u32 s0, $0x4;
	s12 =	simm.s32 @!p1 $0x4000;
	_ =	swait.ge @!p2 [sflag:s21], $0x4000  }
0x47: {  	p1 =	por p1, p1;
	s12 =	sadd.s32 s6, s12;
	[sflag:s21] =	ssyncset.done @!p2 $0x0  }
0x48: {  	s20 =	simm.s32 @p1 $0x6;
	s28 =	simm.s32 $0x16600;
	[sflag:s21] =	ssyncadd.s32 @!p2 $0xFFFFC000  }
0x49: {  	[tilespmem:s28], [sflag:$0x5] =	stream.indirect.gather [spmem:s3], $0x80, s26, s16, $0xb8;
	[tilespmem:$0x1A600] =	vst v63  }
0x4a: {  	s31 =	sshrl.u32 s12, $0x3;
	s12 =	simm.s32 $0x500;
	_ =	swait.ge [sflag:s19], $0x4000  }
0x4b: {  	s9 =	simm.s32 $0xC;
	s21 =	sadd.s32 s2, s22;
	[sflag:s19] =	ssyncset.done $0x0  }
.LBB2_2:
0x4c: {  	p3 =	sne.s32 s7, $0x0;
	[sflag:s19] =	ssyncadd.s32 $0xFFFFC000  }
0x4d: {  	s4 =	simm.s32 $0xE600;
	s13 =	simm.s32 $0x0;
	s23 =	simm.s32 @p1 $0x6600  }
0x4e: {  	[hbm4b:s21+s13] =	stream.linear.scatter [tilespmem:s4], [sflag:$0x8], $0x4000, $0x38;
	[tilespmem:$0x1A600] =	vst v63  }
0x4f: {  	s24 =	simm.s32 @p1 $0x4;
	s25 =	simm.s32 @p1 $0x80;
	_ =	swait.ge @p1 [sflag:s20], $0x4000  }
0x50: {  	s18 =	simm.s32 @p1 $0x12600;
	s21 =	smov.u32 s9;
	[sflag:s20] =	ssyncset.done @p1 $0x0  }
0x51: {  	s21 =	simm.s32 @!p3 $0x2;
	[sflag:s20] =	ssyncadd.s32 @p1 $0xFFFFC000;
	s20 =	sshra.s32 @p1 s29, $0x2  }
0x52: {  	[tilespmem:s23], [sflag:$0x1] =	stream.indirect.gather @p1 [spmem:s3], $0x80, s20, s25, $0xb8;
	[tilespmem:$0x1A600] =	vst v63  }
0x53: {  	s16 =	sshll.u32 s21, $0xE;
	s26 =	sadd.s32 @p1 $0x80, s20;
	s20 =	smov.u32 s10  }
0x54: {  	s16 =	sadd.s32 s6, s16;
	_ =	swait.ge @p1 [sflag:s24], $0x4000;
	s20 =	simm.s32 @!p3 $0x4000  }
0x55: {  	s23 =	sshll.u32 s21, $0x7;
	s28 =	rddreg [dreg:$0x5];
	s20 =	sadd.s32 s6, s20  }
0x56: {  	[sflag:s24] =	ssyncset.done @p1 $0x0;
	s21 =	sshrl.u32 s20, $0x3;
	s8 =	sadd.s32 @p1 s8, s28  }
0x57: {  	s20 =	sshrl.u32 s16, $0x3;
	s16 =	simm.s32 @p1 $0x7;
	s28 =	sadd.s32 @p1 $0xFFFF4000, s8  }
0x58: {  	[sflag:s24] =	ssyncadd.s32 @p1 $0xFFFFC000;
	s8 =	sadd.s32 @p1 $0xFFFF8000, s8;
	s28 =	sshrl.u32 @p1 s28, $0x3  }
0x59: {  	s24 =	simm.s32 @p1 $0x0;
	s5 =	sshrl.u32 @p1 s8, $0x3;
	s8 =	sadd.s32 @p1 s2, s28  }
0x5a: {  	[hbm4b:s8+s24] =	stream.linear.scatter @p1 [tilespmem:s18], [sflag:$0x9], $0x4000, $0x38;
	[tilespmem:$0x1A600] =	vst v63  }
0x5b: {  	_ =	swait.ge @p1 [sflag:s16], $0x4000  }
0x5c: {  	[sflag:s16] =	ssyncset.done @p1 $0x0  }
0x5d: {  	s18 =	simm.s32 @p1 $0x5;
	[sflag:s16] =	ssyncadd.s32 @p1 $0xFFFFC000;
	s16 =	simm.s32 @p1 $0xA600  }
0x5e: {  	[tilespmem:s16], [sflag:$0x2] =	stream.indirect.gather @p1 [spmem:s3], $0x80, s26, s25, $0xb8;
	[tilespmem:$0x1A600] =	vst v63  }
0x5f: {  	_ =	swait.ge @p1 [sflag:s18], $0x4000  }
0x60: {  	s5 =	sadd.s32 @p1 s2, s5;
	[sflag:s18] =	ssyncset.done @p1 $0x0  }
0x61: {  	s16 =	simm.s32 @p1 $0x8;
	[sflag:s18] =	ssyncadd.s32 @p1 $0xFFFFC000;
	s18 =	simm.s32 @p1 $0x16600  }
0x62: {  	[hbm4b:s5+s24] =	stream.linear.scatter @p1 [tilespmem:s18], [sflag:$0xA], $0x4000, $0x38;
	[tilespmem:$0x1A600] =	vst v63  }
0x63: {  	_ =	swait.ge @p1 [sflag:s16], $0x4000  }
0x64: {  	s11 =	smov.u32 s7;
	s5 =	simm.s32 @!p1 $0x6600;
	[sflag:s16] =	ssyncset.done @p1 $0x0  }
0x65: {  	s18 =	simm.s32 @!p1 $0x0;
	[sflag:s16] =	ssyncadd.s32 @p1 $0xFFFFC000;
	s16 =	simm.s32 @!p1 $0x80  }
0x66: {  	[tilespmem:s5], [sflag:$0x1] =	stream.indirect.gather @!p1 [spmem:s3], $0x80, s18, s16, $0xb8;
	[tilespmem:$0x1A600] =	vst v63  }
0x67: {  	s7 =	sadd.s32 $0xA00, s7;
	s22 =	smov.u32 s12;
	s5 =	simm.s32 @!p1 $0xA600  }
0x68: {  	[tilespmem:s5], [sflag:$0x2] =	stream.indirect.gather @!p1 [spmem:s3], $0x80, s16, s16, $0xb8;
	[tilespmem:$0x1A600] =	vst v63  }
0x69: {  	s25 =	sand.u32 $0x3FFFFF80, s1;
	s1 =	smov.u32 s23;
	s23 =	simm.s32 $0x80  }
0x6a: {  	[tilespmem:s4], [sflag:$0x3] =	stream.indirect.gather [spmem:s3], $0x80, s25, s23, $0xb8;
	[tilespmem:$0x1A600] =	vst v63  }
0x6b: {  	s0 =	sadd.s32 s2, s0;
	s22 =	simm.s32 @!p3 $0x0;
	_ =	swait.ge [sflag:s15], $0x4000  }
0x6c: {  	p1 =	por p3, p3;
	p3 =	seq.s32 s29, $0x0;
	[sflag:s15] =	ssyncset.done $0x0  }
0x6d: {  	s5 =	simm.s32 @!p3 $0x9;
	s26 =	rddreg [dreg:$0x6];
	[sflag:s15] =	ssyncadd.s32 $0xFFFFC000  }
0x6e: {  	[hbm4b:s0+s13] =	stream.linear.scatter [tilespmem:s26], [sflag:$0x6], $0x4000, $0x38;
	[tilespmem:$0x1A600] =	vst v63  }
0x6f: {  	s22 =	sadd.s32 s14, s22;
	s28 =	sshra.s32 s29, $0x2;
	_ =	swait.ge @!p3 [sflag:s5], $0x4000  }
0x70: {  	s22 =	sshll.u32 s22, $0x4;
	s18 =	sadd.s32 $0x180, s28;
	[sflag:s5] =	ssyncset.done @!p3 $0x0  }
0x71: {  	s0 =	smov.u32 s22;
	s22 =	simm.s32 $0x12600;
	[sflag:s5] =	ssyncadd.s32 @!p3 $0xFFFFC000  }
0x72: {  	[tilespmem:s22], [sflag:$0x4] =	stream.indirect.gather [spmem:s3], $0x80, s18, s23, $0xb8;
	[tilespmem:$0x1A600] =	vst v63  }
0x73: {  	s12 =	sadd.s32 $0x280, s12;
	p2 =	sne.s32 s7, $0x19000;
	_ =	swait.ge [sflag:s17], $0x4000  }
0x74: {  	s9 =	sadd.s32 $0x5, s9;
	s25 =	sadd.s32 s2, s31;
	[sflag:s17] =	ssyncset.done $0x0  }
0x75: {  	s18 =	simm.s32 @!p3 $0xA;
	s24 =	rddreg [dreg:$0x7];
	[sflag:s17] =	ssyncadd.s32 $0xFFFFC000  }
0x76: {  	[hbm4b:s25+s13] =	stream.linear.scatter [tilespmem:s24], [sflag:$0x7], $0x4000, $0x38;
	[tilespmem:$0x1A600] =	vst v63  }
0x77: {  	s8 =	smov.u32 s10;
	s10 =	sadd.s32 $0x14000, s10;
	_ =	swait.ge @!p3 [sflag:s18], $0x4000  }
.Ltmp0:
0x78: {  	s29 =	smov.u32 s11;
	[sflag:s18] =	ssyncset.done @!p3 $0x0;
	(pc) =	sbr.rel @p2 .LBB2_2-.Ltmp0, $4  }
0x79: {  	s26 =	sadd.s32 $0x200, s28;
	s28 =	simm.s32 $0x16600;
	[sflag:s18] =	ssyncadd.s32 @!p3 $0xFFFFC000  }
0x7a: {  	[tilespmem:s28], [sflag:$0x5] =	stream.indirect.gather [spmem:s3], $0x80, s26, s23, $0xb8;
	[tilespmem:$0x1A600] =	vst v63  }
0x7b: {  	s31 =	smov.u32 s21;
	s21 =	sadd.s32 s2, s30;
	_ =	swait.ge [sflag:s19], $0x4000  }
0x7c: {  	s30 =	smov.u32 s20;
	s20 =	simm.s32 @p1 $0x6;
	[sflag:s19] =	ssyncset.done $0x0  }
0x7d: {  	[sflag:s19] =	ssyncadd.s32 $0xFFFFC000;
	s4 =	simm.s32 $0xE600;
	s13 =	simm.s32 $0x0  }
0x7e: {  	[hbm4b:s21+s13] =	stream.linear.scatter [tilespmem:s4], [sflag:$0x8], $0x4000, $0x38;
	[tilespmem:$0x1A600] =	vst v63  }
0x7f: {  	_ =	swait.ge @p1 [sflag:s20], $0x4000  }
0x80: {  	s5 =	simm.s32 @p1 $0x6600;
	s7 =	simm.s32 @p1 $0x4;
	[sflag:s20] =	ssyncset.done @p1 $0x0  }
0x81: {  	s9 =	sshra.s32 @p1 s29, $0x2;
	s10 =	simm.s32 @p1 $0x80;
	[sflag:s20] =	ssyncadd.s32 @p1 $0xFFFFC000  }
0x82: {  	[tilespmem:s5], [sflag:$0x1] =	stream.indirect.gather @p1 [spmem:s3], $0x80, s9, s10, $0xb8;
	[tilespmem:$0x1A600] =	vst v63  }
0x83: {  	_ =	swait.ge @p1 [sflag:s7], $0x4000  }
0x84: {  	s5 =	rddreg [dreg:$0x5]  }
0x85: {  	s5 =	sadd.s32 @p1 s8, s5  }
0x86: {  	s8 =	sadd.s32 @p1 $0xFFFF4000, s5  }
0x87: {  	s11 =	simm.s32 @p1 $0x12600;
	[sflag:s7] =	ssyncset.done @p1 $0x0;
	s8 =	sshrl.u32 @p1 s8, $0x3  }
0x88: {  	[sflag:s7] =	ssyncadd.s32 @p1 $0xFFFFC000;
	s7 =	sadd.s32 @p1 s2, s8;
	s8 =	simm.s32 @p1 $0x0  }
0x89: {  	[hbm4b:s7+s8] =	stream.linear.scatter @p1 [tilespmem:s11], [sflag:$0x9], $0x4000, $0x38;
	[tilespmem:$0x1A600] =	vst v63  }
0x8a: {  	s7 =	simm.s32 @p1 $0x7  }
0x8b: {  	_ =	swait.ge @p1 [sflag:s7], $0x4000  }
0x8c: {  	[sflag:s7] =	ssyncset.done @p1 $0x0  }
0x8d: {  	s9 =	sadd.s32 @p1 $0x80, s9;
	[sflag:s7] =	ssyncadd.s32 @p1 $0xFFFFC000;
	s7 =	simm.s32 @p1 $0xA600  }
0x8e: {  	[tilespmem:s7], [sflag:$0x2] =	stream.indirect.gather @p1 [spmem:s3], $0x80, s9, s10, $0xb8;
	[tilespmem:$0x1A600] =	vst v63  }
0x8f: {  	s7 =	simm.s32 @p1 $0x5  }
0x90: {  	s5 =	sadd.s32 @p1 $0xFFFF8000, s5;
	_ =	swait.ge @p1 [sflag:s7], $0x4000  }
0x91: {  	s5 =	sshrl.u32 @p1 s5, $0x3;
	[sflag:s7] =	ssyncset.done @p1 $0x0  }
0x92: {  	s5 =	sadd.s32 @p1 s2, s5;
	[sflag:s7] =	ssyncadd.s32 @p1 $0xFFFFC000;
	s7 =	simm.s32 @p1 $0x16600  }
0x93: {  	[hbm4b:s5+s8] =	stream.linear.scatter @p1 [tilespmem:s7], [sflag:$0xA], $0x4000, $0x38;
	[tilespmem:$0x1A600] =	vst v63  }
0x94: {  	s5 =	simm.s32 @p1 $0x8  }
0x95: {  	_ =	swait.ge @p1 [sflag:s5], $0x4000  }
0x96: {  	s7 =	simm.s32 @!p1 $0x6600;
	[sflag:s5] =	ssyncset.done @p1 $0x0  }
0x97: {  	s8 =	simm.s32 @!p1 $0x0;
	[sflag:s5] =	ssyncadd.s32 @p1 $0xFFFFC000;
	s5 =	simm.s32 @!p1 $0x80  }
0x98: {  	[tilespmem:s7], [sflag:$0x1] =	stream.indirect.gather @!p1 [spmem:s3], $0x80, s8, s5, $0xb8;
	[tilespmem:$0x1A600] =	vst v63  }
0x99: {  	s7 =	simm.s32 @!p1 $0xA600  }
0x9a: {  	[tilespmem:s7], [sflag:$0x2] =	stream.indirect.gather @!p1 [spmem:s3], $0x80, s5, s5, $0xb8;
	[tilespmem:$0x1A600] =	vst v63  }
0x9b: {  	s1 =	sand.u32 $0x3FFFFF80, s1;
	s26 =	simm.s32 $0x80  }
0x9c: {  	[tilespmem:s4], [sflag:$0x3] =	stream.indirect.gather [spmem:s3], $0x80, s1, s26, $0xb8;
	[tilespmem:$0x1A600] =	vst v63  }
0x9d: {  	_ =	swait.ge [sflag:s15], $0x4000  }
0x9e: {  	s0 =	sadd.s32 s2, s0;
	[sflag:s15] =	ssyncset.done $0x0  }
0x9f: {  	p1 =	seq.s32 s29, $0x0;
	s28 =	rddreg [dreg:$0x6];
	[sflag:s15] =	ssyncadd.s32 $0xFFFFC000  }
0xa0: {  	[hbm4b:s0+s13] =	stream.linear.scatter [tilespmem:s28], [sflag:$0x6], $0x4000, $0x38;
	[tilespmem:$0x1A600] =	vst v63  }
0xa1: {  	s0 =	simm.s32 @!p1 $0x9  }
0xa2: {  	_ =	swait.ge @!p1 [sflag:s0], $0x4000  }
0xa3: {  	s29 =	sshra.s32 s29, $0x2;
	[sflag:s0] =	ssyncset.done @!p1 $0x0  }
0xa4: {  	s9 =	simm.s32 $0x12600;
	s8 =	sadd.s32 $0x180, s29;
	[sflag:s0] =	ssyncadd.s32 @!p1 $0xFFFFC000  }
0xa5: {  	[tilespmem:s9], [sflag:$0x4] =	stream.indirect.gather [spmem:s3], $0x80, s8, s26, $0xb8;
	[tilespmem:$0x1A600] =	vst v63  }
0xa6: {  	_ =	swait.ge [sflag:s17], $0x4000  }
0xa7: {  	s11 =	sadd.s32 s2, s31;
	[sflag:s17] =	ssyncset.done $0x0  }
0xa8: {  	s0 =	simm.s32 @!p1 $0xA;
	s10 =	rddreg [dreg:$0x7];
	[sflag:s17] =	ssyncadd.s32 $0xFFFFC000  }
0xa9: {  	[hbm4b:s11+s13] =	stream.linear.scatter [tilespmem:s10], [sflag:$0x7], $0x4000, $0x38;
	[tilespmem:$0x1A600] =	vst v63  }
0xaa: {  	_ =	swait.ge @!p1 [sflag:s0], $0x4000  }
0xab: {  	[sflag:s0] =	ssyncset.done @!p1 $0x0  }
0xac: {  	s16 =	simm.s32 $0x16600;
	s12 =	sadd.s32 $0x200, s29;
	[sflag:s0] =	ssyncadd.s32 @!p1 $0xFFFFC000  }
0xad: {  	[tilespmem:s16], [sflag:$0x5] =	stream.indirect.gather [spmem:s3], $0x80, s12, s26, $0xb8;
	[tilespmem:$0x1A600] =	vst v63  }
0xae: {  	_ =	swait.ge [sflag:s19], $0x4000  }
0xaf: {  	[sflag:s19] =	ssyncset.done $0x0  }
0xb0: {  	s18 =	sadd.s32 s2, s30;
	s20 =	simm.s32 $0x4;
	[sflag:s19] =	ssyncadd.s32 $0xFFFFC000  }
0xb1: {  	[hbm4b:s18+s13] =	stream.linear.scatter [tilespmem:s4], [sflag:$0x8], $0x4000, $0x38;
	[tilespmem:$0x1A600] =	vst v63  }
0xb2: {  	_ =	swait.ge [sflag:s20], $0x4000  }
0xb3: {  	[sflag:s20] =	ssyncset.done $0x0  }
0xb4: {  	s22 =	simm.s32 $0x5;
	s21 =	rddreg [dreg:$0x9];
	[sflag:s20] =	ssyncadd.s32 $0xFFFFC000  }
0xb5: {  	[hbm4b:s21+s13] =	stream.linear.scatter [tilespmem:s9], [sflag:$0x9], $0x4000, $0x38;
	[tilespmem:$0x1A600] =	vst v63  }
0xb6: {  	_ =	swait.ge [sflag:s22], $0x4000  }
0xb7: {  	[sflag:s22] =	ssyncset.done $0x0  }
0xb8: {  	s24 =	simm.s32 $0x6;
	s23 =	rddreg [dreg:$0xa];
	[sflag:s22] =	ssyncadd.s32 $0xFFFFC000  }
0xb9: {  	[hbm4b:s23+s13] =	stream.linear.scatter [tilespmem:s16], [sflag:$0xA], $0x4000, $0x38;
	[tilespmem:$0x1A600] =	vst v63  }
0xba: {  	_ =	swait.ge [sflag:s24], $0x4000  }
0xbb: {  	[sflag:s24] =	ssyncset.done $0x0  }
0xbc: {  	s25 =	simm.s32 $0x7;
	[sflag:s24] =	ssyncadd.s32 $0xFFFFC000  }
0xbd: {  	_ =	swait.ge [sflag:s25], $0x4000  }
0xbe: {  	[sflag:s25] =	ssyncset.done $0x0  }
0xbf: {  	s26 =	simm.s32 $0x8;
	[sflag:s25] =	ssyncadd.s32 $0xFFFFC000  }
0xc0: {  	_ =	swait.ge [sflag:s26], $0x4000  }
0xc1: {  	[sflag:s26] =	ssyncset.done $0x0  }
0xc2: {  	s28 =	simm.s32 $0x9;
	[sflag:s26] =	ssyncadd.s32 $0xFFFFC000  }
0xc3: {  	_ =	swait.ge [sflag:s28], $0x4000  }
0xc4: {  	[sflag:s28] =	ssyncset.done $0x0  }
0xc5: {  	s29 =	simm.s32 $0xA;
	[sflag:s28] =	ssyncadd.s32 $0xFFFFC000  }
0xc6: {  	_ =	swait.ge [sflag:s29], $0x4000  }
0xc7: {  	s30 =	rddreg [dreg:$0xd]  }
0xc8: {  	s31 =	rddreg [dreg:$0xb];
	s4 =	sadd.s32 $0x1, s30  }
0xc9: {  	p1 =	sne.s32 s4, s31  }
.Ltmp1:
0xca: {  	_ = 	snop;
	(pc) =	sbr.rel @p1 .LBB2_1-.Ltmp1, $3  }
0xcb: {  	_ =	sdelay $0x1  }
0xcc: {  	[sflag:s29] =	ssyncset.done $0x0  }
0xcd: {  	s12 =	simm.s32 $0xE600;
	[sflag:s29] =	ssyncadd.s32 $0xFFFFC000  }
0xce: {  	_ =	sfence.sel $0x180000  }
0xcf: {  	[bflag:$0x0] =	sbarrier.arrive $0xFFFF  }
0xd0: {  	_ =	strace $0x90000047  }
0xd1: {  	[bflag:$0x2] =	sbarrier.arrive $0xFFFF  }
0xd2: {  	s0 =	rddreg [dreg:$0x4]  }
0xd3: {  	s0 =	sadd.s32 @!p0 $0x100000, s0  }
0xd4: {  	[sflag:s0] =	ssyncadd.tile.s32 @!p0 $0x1;
	_ =	shalt  }
.Lfunc_end2:
_tile_overlayer_lowered:
.L_overlay_start_2:
0xd5: {  	(tag) =	ssettag $0x2  }
0xd6: {  	s0 =	rddreg [dreg:$0x0];
	s2 =	stileid.u32  }
0xd7: {  	s1 =	rddreg [dreg:$0x1];
	p0 =	sne.s32 s2, $0x0  }
0xd8: {  	s3 =	rddreg [dreg:$0x2];
	[bflag:$0x3] =	sbarrier.arrive $0xFFFF;
	s2 =	simm.s32 @!p0 $0x1C0B  }
0xd9: {  	[timem:s3], [sflag:s2] =	dma.local @!p0 [hbm:s0], s1  }
0xda: {  	s0 =	simm.s32 @!p0 $0xB  }
0xdb: {  	_ =	swait.ge @!p0 [sflag:s0], s1  }
0xdc: {  	s1 =	ssub.s32 @!p0 $0x0, s1;
	[sflag:s0] =	ssyncset.done @!p0 $0x0  }
0xdd: {  	[sflag:s0] =	ssyncadd.s32 @!p0 s1  }
0xde: {  	[bflag:$0x3] =	sbarrier.arrive $0xFFFF  }
0xdf: {  	_ =	shalt  }

</sc_bundles>
